<compile_context>
chip_gen: v7x
topology: tpu7x:2x2x1
jax: 0.10.2.dev20260603
libtpu: 0.0.44.dev20260713+nightly
codegen_flags: <defaults>
</compile_context>

<pallas_src>
import jax
import jax.numpy as jnp
from jax import lax
from jax.experimental import pallas as pl
from jax.experimental.pallas import tpu as pltpu
from jax.experimental.pallas import tpu_sc as plsc

_PATHS = 64
_T = 32768
_D = 768
_NC = 2
_NS = 16
_NW = _NC * _NS
_ROWS_W = _T // _NW
_CH = 80
_NBUF = 2
_SIZES = [_CH] * 6 + [32]
_OFFS = [sum(_SIZES[:i]) for i in range(len(_SIZES))]
_NCHUNK = len(_SIZES)


def _dispatch_body(x_hbm, out_hbm, shared, *sems):
    sem_in = sems[:_NBUF]
    sem_out = sems[_NBUF:]
    cid = lax.axis_index("c")
    sid = lax.axis_index("s")
    wid = sid * _NC + cid
    base = wid * _ROWS_W

    def buf(i):
        b = i % _NBUF
        return shared.at[pl.ds((sid * _NBUF + b) * _CH, _SIZES[i])]

    def start_in(i):
        cp = pltpu.make_async_copy(
            x_hbm.at[pl.ds(base + _OFFS[i], _SIZES[i])], buf(i),
            sem_in[i % _NBUF])
        cp.start()
        return cp

    def start_out(i):
        cp = pltpu.make_async_copy(
            buf(i), out_hbm.at[pl.ds(base + _OFFS[i], _SIZES[i])],
            sem_out[i % _NBUF])
        cp.start()
        return cp

    in_cp = [None] * _NCHUNK
    out_cp = [None] * _NCHUNK
    in_cp[0] = start_in(0)
    for i in range(_NCHUNK):
        nxt = i + 1
        if nxt < _NCHUNK:
            if nxt >= _NBUF:
                out_cp[nxt - _NBUF].wait()
            in_cp[nxt] = start_in(nxt)
        in_cp[i].wait()
        out_cp[i] = start_out(i)
    for j in range(max(0, _NCHUNK - _NBUF), _NCHUNK):
        out_cp[j].wait()


@jax.jit
def kernel(inputs):
    mesh = plsc.VectorSubcoreMesh(
        core_axis_name="c", subcore_axis_name="s",
        num_cores=_NC, num_subcores=_NS)
    routed_flat = pl.kernel(
        _dispatch_body,
        out_type=jax.ShapeDtypeStruct((_T, _D), jnp.float32),
        mesh=mesh,
        scratch_types=(
            [pltpu.VMEM_SHARED((_NS * _NBUF * _CH, _D), jnp.float32)]
            + [pltpu.SemaphoreType.DMA for _ in range(2 * _NBUF)]
        ),
    )(inputs)
    return routed_flat.reshape(_PATHS, _T // _PATHS, _D)

# --- scband reference (transcript-rebuilt; emitter-appended) ---
"""Pipeline reference for scband-uniform-scatter-31980326486571 (READ-ONLY COPY).

The authoritative reference and input builder live on the scoring server;
editing this copy changes nothing except your own understanding.
"""

import jax, jax.numpy as jnp
import numpy as np

PATH_NUM = 64

def setup_inputs(seed: int = 0) -> dict:
    key = jax.random.key(seed)
    x = jax.random.normal(key, (32768, 768), dtype=jnp.float32)
    return {"inputs": x}

def reference(inputs):
    # uniform_gate: one-hot mask assigning contiguous token blocks to each path
    T, d = inputs.shape
    assert T % PATH_NUM == 0
    chunk = T // PATH_NUM
    mask_indice = jnp.repeat(jnp.arange(PATH_NUM), chunk)  # [T]
    mask = jnp.zeros((T, PATH_NUM), dtype=inputs.dtype).at[jnp.arange(T), mask_indice].set(1.0)
    # ScatterRouter(protocol='topk' k=1, fabric='dispatch'):
    # top-1 path per token from score, gate the token by its score, then
    # dispatch tokens to per-path buffers (each path receives exactly `chunk` tokens).
    route = jnp.argmax(mask, axis=1)                      # [T] destination path per token
    score = jnp.take_along_axis(mask, route[:, None], axis=1)  # [T,1], all ones here
    gated = inputs * score                                 # gate by routing score
    order = jnp.argsort(route)                             # stable sort -> per-path contiguous groups
    routed = jnp.take(gated, order, axis=0).reshape(PATH_NUM, chunk, d)
    return routed

if __name__ == "__main__":
    import jax
    _d = setup_inputs()
    print(jax.jit(kernel)(*tuple(_d.values())))

</pallas_src>

<mosaic_0001>
#map = affine_map<(d0, d1) -> (0, 0)>
module attributes {stable_mosaic.version = 14 : i64} {
  func.func @_dispatch_body(%arg0: i32, %arg1: i32, %arg2: memref<32768x768xf32, #tpu.memory_space<hbm>>, %arg3: memref<32768x768xf32, #tpu.memory_space<hbm>>, %arg4: memref<2560x768xf32, #tpu.memory_space<vmem_shared>>, %arg5: memref<!tpu.dma_semaphore, #tpu.memory_space<semaphore_mem>>, %arg6: memref<!tpu.dma_semaphore, #tpu.memory_space<semaphore_mem>>, %arg7: memref<!tpu.dma_semaphore, #tpu.memory_space<semaphore_mem>>, %arg8: memref<!tpu.dma_semaphore, #tpu.memory_space<semaphore_mem>>) attributes {dimension_semantics = [#tpu.dimension_semantics<core_parallel>, #tpu.dimension_semantics<subcore_parallel>], iteration_bounds = array<i64: 2, 16>, scalar_prefetch = 0 : i64, scratch_operands = 5 : i64, tpu.core_type = #tpu.core_type<sc_vector_subcore>, window_params = [{transform_indices = #map}, {transform_indices = #map}]} {
    %mul3A = arith.constant 2 : i32
    %mul3A_0 = arith.muli %arg1, %mul3A : i32
    %add3A = arith.addi %mul3A_0, %arg0 : i32
    %mul3A_1 = arith.constant 1024 : i32
    %mul3A_2 = arith.muli %add3A, %mul3A_1 : i32
    %add3A_3 = arith.constant 0 : i32
    %add3A_4 = arith.addi %mul3A_2, %add3A_3 : i32
    %mul3A_5 = arith.constant 2 : i32
    %mul3A_6 = arith.muli %arg1, %mul3A_5 : i32
    %add3A_7 = arith.constant 0 : i32
    %add3A_8 = arith.addi %mul3A_6, %add3A_7 : i32
    %mul3A_9 = arith.constant 80 : i32
    %mul3A_10 = arith.muli %add3A_8, %mul3A_9 : i32
    %dma_start3A = arith.constant 0 : i32
    %dma_start3A_11 = tpu.memref_slice %arg4[%mul3A_10, %dma_start3A] : memref<2560x768xf32, #tpu.memory_space<vmem_shared>> -> memref<80x768xf32, #tpu.memory_space<vmem_shared>>
    %dma_start3A_12 = arith.constant 0 : i32
    %dma_start3A_13 = tpu.memref_slice %arg2[%add3A_4, %dma_start3A_12] : memref<32768x768xf32, #tpu.memory_space<hbm>> -> memref<80x768xf32, #tpu.memory_space<hbm>>
    tpu.enqueue_dma source(%dma_start3A_13 : memref<80x768xf32, #tpu.memory_space<hbm>>) target(%dma_start3A_11 : memref<80x768xf32, #tpu.memory_space<vmem_shared>>) target_semaphore(%arg5 : memref<!tpu.dma_semaphore, #tpu.memory_space<semaphore_mem>>)
    %add3A_14 = arith.constant 80 : i32
    %add3A_15 = arith.addi %mul3A_2, %add3A_14 : i32
    %mul3A_16 = arith.constant 2 : i32
    %mul3A_17 = arith.muli %arg1, %mul3A_16 : i32
    %add3A_18 = arith.constant 1 : i32
    %add3A_19 = arith.addi %mul3A_17, %add3A_18 : i32
    %mul3A_20 = arith.constant 80 : i32
    %mul3A_21 = arith.muli %add3A_19, %mul3A_20 : i32
    %dma_start3A_22 = arith.constant 0 : i32
    %dma_start3A_23 = tpu.memref_slice %arg4[%mul3A_21, %dma_start3A_22] : memref<2560x768xf32, #tpu.memory_space<vmem_shared>> -> memref<80x768xf32, #tpu.memory_space<vmem_shared>>
    %dma_start3A_24 = arith.constant 0 : i32
    %dma_start3A_25 = tpu.memref_slice %arg2[%add3A_15, %dma_start3A_24] : memref<32768x768xf32, #tpu.memory_space<hbm>> -> memref<80x768xf32, #tpu.memory_space<hbm>>
    tpu.enqueue_dma source(%dma_start3A_25 : memref<80x768xf32, #tpu.memory_space<hbm>>) target(%dma_start3A_23 : memref<80x768xf32, #tpu.memory_space<vmem_shared>>) target_semaphore(%arg6 : memref<!tpu.dma_semaphore, #tpu.memory_space<semaphore_mem>>)
    %dma_wait3A = arith.constant 0 : i32
    %dma_wait3A_26 = tpu.memref_slice %arg4[%mul3A_10, %dma_wait3A] : memref<2560x768xf32, #tpu.memory_space<vmem_shared>> -> memref<80x768xf32, #tpu.memory_space<vmem_shared>>
    %dma_wait3A_27 = arith.constant 0 : i32
    %dma_wait3A_28 = tpu.memref_slice %arg2[%add3A_4, %dma_wait3A_27] : memref<32768x768xf32, #tpu.memory_space<hbm>> -> memref<80x768xf32, #tpu.memory_space<hbm>>
    tpu.wait_dma2 semaphore(%arg5 : memref<!tpu.dma_semaphore, #tpu.memory_space<semaphore_mem>>) src(%dma_wait3A_28 : memref<80x768xf32, #tpu.memory_space<hbm>>) dst(%dma_wait3A_26 : memref<80x768xf32, #tpu.memory_space<vmem_shared>>)
    %mul3A_29 = arith.constant 2 : i32
    %mul3A_30 = arith.muli %arg1, %mul3A_29 : i32
    %add3A_31 = arith.constant 0 : i32
    %add3A_32 = arith.addi %mul3A_30, %add3A_31 : i32
    %mul3A_33 = arith.constant 80 : i32
    %mul3A_34 = arith.muli %add3A_32, %mul3A_33 : i32
    %add3A_35 = arith.constant 0 : i32
    %add3A_36 = arith.addi %mul3A_2, %add3A_35 : i32
    %dma_start3A_37 = arith.constant 0 : i32
    %dma_start3A_38 = tpu.memref_slice %arg3[%add3A_36, %dma_start3A_37] : memref<32768x768xf32, #tpu.memory_space<hbm>> -> memref<80x768xf32, #tpu.memory_space<hbm>>
    %dma_start3A_39 = arith.constant 0 : i32
    %dma_start3A_40 = tpu.memref_slice %arg4[%mul3A_34, %dma_start3A_39] : memref<2560x768xf32, #tpu.memory_space<vmem_shared>> -> memref<80x768xf32, #tpu.memory_space<vmem_shared>>
    tpu.enqueue_dma source(%dma_start3A_40 : memref<80x768xf32, #tpu.memory_space<vmem_shared>>) target(%dma_start3A_38 : memref<80x768xf32, #tpu.memory_space<hbm>>) target_semaphore(%arg7 : memref<!tpu.dma_semaphore, #tpu.memory_space<semaphore_mem>>)
    %dma_wait3A_41 = arith.constant 0 : i32
    %dma_wait3A_42 = tpu.memref_slice %arg3[%add3A_36, %dma_wait3A_41] : memref<32768x768xf32, #tpu.memory_space<hbm>> -> memref<80x768xf32, #tpu.memory_space<hbm>>
    %dma_wait3A_43 = arith.constant 0 : i32
    %dma_wait3A_44 = tpu.memref_slice %arg4[%mul3A_34, %dma_wait3A_43] : memref<2560x768xf32, #tpu.memory_space<vmem_shared>> -> memref<80x768xf32, #tpu.memory_space<vmem_shared>>
    tpu.wait_dma2 semaphore(%arg7 : memref<!tpu.dma_semaphore, #tpu.memory_space<semaphore_mem>>) src(%dma_wait3A_44 : memref<80x768xf32, #tpu.memory_space<vmem_shared>>) dst(%dma_wait3A_42 : memref<80x768xf32, #tpu.memory_space<hbm>>)
    %add3A_45 = arith.constant 160 : i32
    %add3A_46 = arith.addi %mul3A_2, %add3A_45 : i32
    %mul3A_47 = arith.constant 2 : i32
    %mul3A_48 = arith.muli %arg1, %mul3A_47 : i32
    %add3A_49 = arith.constant 0 : i32
    %add3A_50 = arith.addi %mul3A_48, %add3A_49 : i32
    %mul3A_51 = arith.constant 80 : i32
    %mul3A_52 = arith.muli %add3A_50, %mul3A_51 : i32
    %dma_start3A_53 = arith.constant 0 : i32
    %dma_start3A_54 = tpu.memref_slice %arg4[%mul3A_52, %dma_start3A_53] : memref<2560x768xf32, #tpu.memory_space<vmem_shared>> -> memref<80x768xf32, #tpu.memory_space<vmem_shared>>
    %dma_start3A_55 = arith.constant 0 : i32
    %dma_start3A_56 = tpu.memref_slice %arg2[%add3A_46, %dma_start3A_55] : memref<32768x768xf32, #tpu.memory_space<hbm>> -> memref<80x768xf32, #tpu.memory_space<hbm>>
    tpu.enqueue_dma source(%dma_start3A_56 : memref<80x768xf32, #tpu.memory_space<hbm>>) target(%dma_start3A_54 : memref<80x768xf32, #tpu.memory_space<vmem_shared>>) target_semaphore(%arg5 : memref<!tpu.dma_semaphore, #tpu.memory_space<semaphore_mem>>)
    %dma_wait3A_57 = arith.constant 0 : i32
    %dma_wait3A_58 = tpu.memref_slice %arg4[%mul3A_21, %dma_wait3A_57] : memref<2560x768xf32, #tpu.memory_space<vmem_shared>> -> memref<80x768xf32, #tpu.memory_space<vmem_shared>>
    %dma_wait3A_59 = arith.constant 0 : i32
    %dma_wait3A_60 = tpu.memref_slice %arg2[%add3A_15, %dma_wait3A_59] : memref<32768x768xf32, #tpu.memory_space<hbm>> -> memref<80x768xf32, #tpu.memory_space<hbm>>
    tpu.wait_dma2 semaphore(%arg6 : memref<!tpu.dma_semaphore, #tpu.memory_space<semaphore_mem>>) src(%dma_wait3A_60 : memref<80x768xf32, #tpu.memory_space<hbm>>) dst(%dma_wait3A_58 : memref<80x768xf32, #tpu.memory_space<vmem_shared>>)
    %mul3A_61 = arith.constant 2 : i32
    %mul3A_62 = arith.muli %arg1, %mul3A_61 : i32
    %add3A_63 = arith.constant 1 : i32
    %add3A_64 = arith.addi %mul3A_62, %add3A_63 : i32
    %mul3A_65 = arith.constant 80 : i32
    %mul3A_66 = arith.muli %add3A_64, %mul3A_65 : i32
    %add3A_67 = arith.constant 80 : i32
    %add3A_68 = arith.addi %mul3A_2, %add3A_67 : i32
    %dma_start3A_69 = arith.constant 0 : i32
    %dma_start3A_70 = tpu.memref_slice %arg3[%add3A_68, %dma_start3A_69] : memref<32768x768xf32, #tpu.memory_space<hbm>> -> memref<80x768xf32, #tpu.memory_space<hbm>>
    %dma_start3A_71 = arith.constant 0 : i32
    %dma_start3A_72 = tpu.memref_slice %arg4[%mul3A_66, %dma_start3A_71] : memref<2560x768xf32, #tpu.memory_space<vmem_shared>> -> memref<80x768xf32, #tpu.memory_space<vmem_shared>>
    tpu.enqueue_dma source(%dma_start3A_72 : memref<80x768xf32, #tpu.memory_space<vmem_shared>>) target(%dma_start3A_70 : memref<80x768xf32, #tpu.memory_space<hbm>>) target_semaphore(%arg8 : memref<!tpu.dma_semaphore, #tpu.memory_space<semaphore_mem>>)
    %dma_wait3A_73 = arith.constant 0 : i32
    %dma_wait3A_74 = tpu.memref_slice %arg3[%add3A_68, %dma_wait3A_73] : memref<32768x768xf32, #tpu.memory_space<hbm>> -> memref<80x768xf32, #tpu.memory_space<hbm>>
    %dma_wait3A_75 = arith.constant 0 : i32
    %dma_wait3A_76 = tpu.memref_slice %arg4[%mul3A_66, %dma_wait3A_75] : memref<2560x768xf32, #tpu.memory_space<vmem_shared>> -> memref<80x768xf32, #tpu.memory_space<vmem_shared>>
    tpu.wait_dma2 semaphore(%arg8 : memref<!tpu.dma_semaphore, #tpu.memory_space<semaphore_mem>>) src(%dma_wait3A_76 : memref<80x768xf32, #tpu.memory_space<vmem_shared>>) dst(%dma_wait3A_74 : memref<80x768xf32, #tpu.memory_space<hbm>>)
    %add3A_77 = arith.constant 240 : i32
    %add3A_78 = arith.addi %mul3A_2, %add3A_77 : i32
    %mul3A_79 = arith.constant 2 : i32
    %mul3A_80 = arith.muli %arg1, %mul3A_79 : i32
    %add3A_81 = arith.constant 1 : i32
    %add3A_82 = arith.addi %mul3A_80, %add3A_81 : i32
    %mul3A_83 = arith.constant 80 : i32
    %mul3A_84 = arith.muli %add3A_82, %mul3A_83 : i32
    %dma_start3A_85 = arith.constant 0 : i32
    %dma_start3A_86 = tpu.memref_slice %arg4[%mul3A_84, %dma_start3A_85] : memref<2560x768xf32, #tpu.memory_space<vmem_shared>> -> memref<80x768xf32, #tpu.memory_space<vmem_shared>>
    %dma_start3A_87 = arith.constant 0 : i32
    %dma_start3A_88 = tpu.memref_slice %arg2[%add3A_78, %dma_start3A_87] : memref<32768x768xf32, #tpu.memory_space<hbm>> -> memref<80x768xf32, #tpu.memory_space<hbm>>
    tpu.enqueue_dma source(%dma_start3A_88 : memref<80x768xf32, #tpu.memory_space<hbm>>) target(%dma_start3A_86 : memref<80x768xf32, #tpu.memory_space<vmem_shared>>) target_semaphore(%arg6 : memref<!tpu.dma_semaphore, #tpu.memory_space<semaphore_mem>>)
    %dma_wait3A_89 = arith.constant 0 : i32
    %dma_wait3A_90 = tpu.memref_slice %arg4[%mul3A_52, %dma_wait3A_89] : memref<2560x768xf32, #tpu.memory_space<vmem_shared>> -> memref<80x768xf32, #tpu.memory_space<vmem_shared>>
    %dma_wait3A_91 = arith.constant 0 : i32
    %dma_wait3A_92 = tpu.memref_slice %arg2[%add3A_46, %dma_wait3A_91] : memref<32768x768xf32, #tpu.memory_space<hbm>> -> memref<80x768xf32, #tpu.memory_space<hbm>>
    tpu.wait_dma2 semaphore(%arg5 : memref<!tpu.dma_semaphore, #tpu.memory_space<semaphore_mem>>) src(%dma_wait3A_92 : memref<80x768xf32, #tpu.memory_space<hbm>>) dst(%dma_wait3A_90 : memref<80x768xf32, #tpu.memory_space<vmem_shared>>)
    %mul3A_93 = arith.constant 2 : i32
    %mul3A_94 = arith.muli %arg1, %mul3A_93 : i32
    %add3A_95 = arith.constant 0 : i32
    %add3A_96 = arith.addi %mul3A_94, %add3A_95 : i32
    %mul3A_97 = arith.constant 80 : i32
    %mul3A_98 = arith.muli %add3A_96, %mul3A_97 : i32
    %add3A_99 = arith.constant 160 : i32
    %add3A_100 = arith.addi %mul3A_2, %add3A_99 : i32
    %dma_start3A_101 = arith.constant 0 : i32
    %dma_start3A_102 = tpu.memref_slice %arg3[%add3A_100, %dma_start3A_101] : memref<32768x768xf32, #tpu.memory_space<hbm>> -> memref<80x768xf32, #tpu.memory_space<hbm>>
    %dma_start3A_103 = arith.constant 0 : i32
    %dma_start3A_104 = tpu.memref_slice %arg4[%mul3A_98, %dma_start3A_103] : memref<2560x768xf32, #tpu.memory_space<vmem_shared>> -> memref<80x768xf32, #tpu.memory_space<vmem_shared>>
    tpu.enqueue_dma source(%dma_start3A_104 : memref<80x768xf32, #tpu.memory_space<vmem_shared>>) target(%dma_start3A_102 : memref<80x768xf32, #tpu.memory_space<hbm>>) target_semaphore(%arg7 : memref<!tpu.dma_semaphore, #tpu.memory_space<semaphore_mem>>)
    %dma_wait3A_105 = arith.constant 0 : i32
    %dma_wait3A_106 = tpu.memref_slice %arg3[%add3A_100, %dma_wait3A_105] : memref<32768x768xf32, #tpu.memory_space<hbm>> -> memref<80x768xf32, #tpu.memory_space<hbm>>
    %dma_wait3A_107 = arith.constant 0 : i32
    %dma_wait3A_108 = tpu.memref_slice %arg4[%mul3A_98, %dma_wait3A_107] : memref<2560x768xf32, #tpu.memory_space<vmem_shared>> -> memref<80x768xf32, #tpu.memory_space<vmem_shared>>
    tpu.wait_dma2 semaphore(%arg7 : memref<!tpu.dma_semaphore, #tpu.memory_space<semaphore_mem>>) src(%dma_wait3A_108 : memref<80x768xf32, #tpu.memory_space<vmem_shared>>) dst(%dma_wait3A_106 : memref<80x768xf32, #tpu.memory_space<hbm>>)
    %add3A_109 = arith.constant 320 : i32
    %add3A_110 = arith.addi %mul3A_2, %add3A_109 : i32
    %mul3A_111 = arith.constant 2 : i32
    %mul3A_112 = arith.muli %arg1, %mul3A_111 : i32
    %add3A_113 = arith.constant 0 : i32
    %add3A_114 = arith.addi %mul3A_112, %add3A_113 : i32
    %mul3A_115 = arith.constant 80 : i32
    %mul3A_116 = arith.muli %add3A_114, %mul3A_115 : i32
    %dma_start3A_117 = arith.constant 0 : i32
    %dma_start3A_118 = tpu.memref_slice %arg4[%mul3A_116, %dma_start3A_117] : memref<2560x768xf32, #tpu.memory_space<vmem_shared>> -> memref<80x768xf32, #tpu.memory_space<vmem_shared>>
    %dma_start3A_119 = arith.constant 0 : i32
    %dma_start3A_120 = tpu.memref_slice %arg2[%add3A_110, %dma_start3A_119] : memref<32768x768xf32, #tpu.memory_space<hbm>> -> memref<80x768xf32, #tpu.memory_space<hbm>>
    tpu.enqueue_dma source(%dma_start3A_120 : memref<80x768xf32, #tpu.memory_space<hbm>>) target(%dma_start3A_118 : memref<80x768xf32, #tpu.memory_space<vmem_shared>>) target_semaphore(%arg5 : memref<!tpu.dma_semaphore, #tpu.memory_space<semaphore_mem>>)
    %dma_wait3A_121 = arith.constant 0 : i32
    %dma_wait3A_122 = tpu.memref_slice %arg4[%mul3A_84, %dma_wait3A_121] : memref<2560x768xf32, #tpu.memory_space<vmem_shared>> -> memref<80x768xf32, #tpu.memory_space<vmem_shared>>
    %dma_wait3A_123 = arith.constant 0 : i32
    %dma_wait3A_124 = tpu.memref_slice %arg2[%add3A_78, %dma_wait3A_123] : memref<32768x768xf32, #tpu.memory_space<hbm>> -> memref<80x768xf32, #tpu.memory_space<hbm>>
    tpu.wait_dma2 semaphore(%arg6 : memref<!tpu.dma_semaphore, #tpu.memory_space<semaphore_mem>>) src(%dma_wait3A_124 : memref<80x768xf32, #tpu.memory_space<hbm>>) dst(%dma_wait3A_122 : memref<80x768xf32, #tpu.memory_space<vmem_shared>>)
    %mul3A_125 = arith.constant 2 : i32
    %mul3A_126 = arith.muli %arg1, %mul3A_125 : i32
    %add3A_127 = arith.constant 1 : i32
    %add3A_128 = arith.addi %mul3A_126, %add3A_127 : i32
    %mul3A_129 = arith.constant 80 : i32
    %mul3A_130 = arith.muli %add3A_128, %mul3A_129 : i32
    %add3A_131 = arith.constant 240 : i32
    %add3A_132 = arith.addi %mul3A_2, %add3A_131 : i32
    %dma_start3A_133 = arith.constant 0 : i32
    %dma_start3A_134 = tpu.memref_slice %arg3[%add3A_132, %dma_start3A_133] : memref<32768x768xf32, #tpu.memory_space<hbm>> -> memref<80x768xf32, #tpu.memory_space<hbm>>
    %dma_start3A_135 = arith.constant 0 : i32
    %dma_start3A_136 = tpu.memref_slice %arg4[%mul3A_130, %dma_start3A_135] : memref<2560x768xf32, #tpu.memory_space<vmem_shared>> -> memref<80x768xf32, #tpu.memory_space<vmem_shared>>
    tpu.enqueue_dma source(%dma_start3A_136 : memref<80x768xf32, #tpu.memory_space<vmem_shared>>) target(%dma_start3A_134 : memref<80x768xf32, #tpu.memory_space<hbm>>) target_semaphore(%arg8 : memref<!tpu.dma_semaphore, #tpu.memory_space<semaphore_mem>>)
    %dma_wait3A_137 = arith.constant 0 : i32
    %dma_wait3A_138 = tpu.memref_slice %arg3[%add3A_132, %dma_wait3A_137] : memref<32768x768xf32, #tpu.memory_space<hbm>> -> memref<80x768xf32, #tpu.memory_space<hbm>>
    %dma_wait3A_139 = arith.constant 0 : i32
    %dma_wait3A_140 = tpu.memref_slice %arg4[%mul3A_130, %dma_wait3A_139] : memref<2560x768xf32, #tpu.memory_space<vmem_shared>> -> memref<80x768xf32, #tpu.memory_space<vmem_shared>>
    tpu.wait_dma2 semaphore(%arg8 : memref<!tpu.dma_semaphore, #tpu.memory_space<semaphore_mem>>) src(%dma_wait3A_140 : memref<80x768xf32, #tpu.memory_space<vmem_shared>>) dst(%dma_wait3A_138 : memref<80x768xf32, #tpu.memory_space<hbm>>)
    %add3A_141 = arith.constant 400 : i32
    %add3A_142 = arith.addi %mul3A_2, %add3A_141 : i32
    %mul3A_143 = arith.constant 2 : i32
    %mul3A_144 = arith.muli %arg1, %mul3A_143 : i32
    %add3A_145 = arith.constant 1 : i32
    %add3A_146 = arith.addi %mul3A_144, %add3A_145 : i32
    %mul3A_147 = arith.constant 80 : i32
    %mul3A_148 = arith.muli %add3A_146, %mul3A_147 : i32
    %dma_start3A_149 = arith.constant 0 : i32
    %dma_start3A_150 = tpu.memref_slice %arg4[%mul3A_148, %dma_start3A_149] : memref<2560x768xf32, #tpu.memory_space<vmem_shared>> -> memref<80x768xf32, #tpu.memory_space<vmem_shared>>
    %dma_start3A_151 = arith.constant 0 : i32
    %dma_start3A_152 = tpu.memref_slice %arg2[%add3A_142, %dma_start3A_151] : memref<32768x768xf32, #tpu.memory_space<hbm>> -> memref<80x768xf32, #tpu.memory_space<hbm>>
    tpu.enqueue_dma source(%dma_start3A_152 : memref<80x768xf32, #tpu.memory_space<hbm>>) target(%dma_start3A_150 : memref<80x768xf32, #tpu.memory_space<vmem_shared>>) target_semaphore(%arg6 : memref<!tpu.dma_semaphore, #tpu.memory_space<semaphore_mem>>)
    %dma_wait3A_153 = arith.constant 0 : i32
    %dma_wait3A_154 = tpu.memref_slice %arg4[%mul3A_116, %dma_wait3A_153] : memref<2560x768xf32, #tpu.memory_space<vmem_shared>> -> memref<80x768xf32, #tpu.memory_space<vmem_shared>>
    %dma_wait3A_155 = arith.constant 0 : i32
    %dma_wait3A_156 = tpu.memref_slice %arg2[%add3A_110, %dma_wait3A_155] : memref<32768x768xf32, #tpu.memory_space<hbm>> -> memref<80x768xf32, #tpu.memory_space<hbm>>
    tpu.wait_dma2 semaphore(%arg5 : memref<!tpu.dma_semaphore, #tpu.memory_space<semaphore_mem>>) src(%dma_wait3A_156 : memref<80x768xf32, #tpu.memory_space<hbm>>) dst(%dma_wait3A_154 : memref<80x768xf32, #tpu.memory_space<vmem_shared>>)
    %mul3A_157 = arith.constant 2 : i32
    %mul3A_158 = arith.muli %arg1, %mul3A_157 : i32
    %add3A_159 = arith.constant 0 : i32
    %add3A_160 = arith.addi %mul3A_158, %add3A_159 : i32
    %mul3A_161 = arith.constant 80 : i32
    %mul3A_162 = arith.muli %add3A_160, %mul3A_161 : i32
    %add3A_163 = arith.constant 320 : i32
    %add3A_164 = arith.addi %mul3A_2, %add3A_163 : i32
    %dma_start3A_165 = arith.constant 0 : i32
    %dma_start3A_166 = tpu.memref_slice %arg3[%add3A_164, %dma_start3A_165] : memref<32768x768xf32, #tpu.memory_space<hbm>> -> memref<80x768xf32, #tpu.memory_space<hbm>>
    %dma_start3A_167 = arith.constant 0 : i32
    %dma_start3A_168 = tpu.memref_slice %arg4[%mul3A_162, %dma_start3A_167] : memref<2560x768xf32, #tpu.memory_space<vmem_shared>> -> memref<80x768xf32, #tpu.memory_space<vmem_shared>>
    tpu.enqueue_dma source(%dma_start3A_168 : memref<80x768xf32, #tpu.memory_space<vmem_shared>>) target(%dma_start3A_166 : memref<80x768xf32, #tpu.memory_space<hbm>>) target_semaphore(%arg7 : memref<!tpu.dma_semaphore, #tpu.memory_space<semaphore_mem>>)
    %dma_wait3A_169 = arith.constant 0 : i32
    %dma_wait3A_170 = tpu.memref_slice %arg3[%add3A_164, %dma_wait3A_169] : memref<32768x768xf32, #tpu.memory_space<hbm>> -> memref<80x768xf32, #tpu.memory_space<hbm>>
    %dma_wait3A_171 = arith.constant 0 : i32
    %dma_wait3A_172 = tpu.memref_slice %arg4[%mul3A_162, %dma_wait3A_171] : memref<2560x768xf32, #tpu.memory_space<vmem_shared>> -> memref<80x768xf32, #tpu.memory_space<vmem_shared>>
    tpu.wait_dma2 semaphore(%arg7 : memref<!tpu.dma_semaphore, #tpu.memory_space<semaphore_mem>>) src(%dma_wait3A_172 : memref<80x768xf32, #tpu.memory_space<vmem_shared>>) dst(%dma_wait3A_170 : memref<80x768xf32, #tpu.memory_space<hbm>>)
    %add3A_173 = arith.constant 480 : i32
    %add3A_174 = arith.addi %mul3A_2, %add3A_173 : i32
    %mul3A_175 = arith.constant 2 : i32
    %mul3A_176 = arith.muli %arg1, %mul3A_175 : i32
    %add3A_177 = arith.constant 0 : i32
    %add3A_178 = arith.addi %mul3A_176, %add3A_177 : i32
    %mul3A_179 = arith.constant 80 : i32
    %mul3A_180 = arith.muli %add3A_178, %mul3A_179 : i32
    %dma_start3A_181 = arith.constant 0 : i32
    %dma_start3A_182 = tpu.memref_slice %arg4[%mul3A_180, %dma_start3A_181] : memref<2560x768xf32, #tpu.memory_space<vmem_shared>> -> memref<32x768xf32, #tpu.memory_space<vmem_shared>>
    %dma_start3A_183 = arith.constant 0 : i32
    %dma_start3A_184 = tpu.memref_slice %arg2[%add3A_174, %dma_start3A_183] : memref<32768x768xf32, #tpu.memory_space<hbm>> -> memref<32x768xf32, #tpu.memory_space<hbm>>
    tpu.enqueue_dma source(%dma_start3A_184 : memref<32x768xf32, #tpu.memory_space<hbm>>) target(%dma_start3A_182 : memref<32x768xf32, #tpu.memory_space<vmem_shared>>) target_semaphore(%arg5 : memref<!tpu.dma_semaphore, #tpu.memory_space<semaphore_mem>>)
    %dma_wait3A_185 = arith.constant 0 : i32
    %dma_wait3A_186 = tpu.memref_slice %arg4[%mul3A_148, %dma_wait3A_185] : memref<2560x768xf32, #tpu.memory_space<vmem_shared>> -> memref<80x768xf32, #tpu.memory_space<vmem_shared>>
    %dma_wait3A_187 = arith.constant 0 : i32
    %dma_wait3A_188 = tpu.memref_slice %arg2[%add3A_142, %dma_wait3A_187] : memref<32768x768xf32, #tpu.memory_space<hbm>> -> memref<80x768xf32, #tpu.memory_space<hbm>>
    tpu.wait_dma2 semaphore(%arg6 : memref<!tpu.dma_semaphore, #tpu.memory_space<semaphore_mem>>) src(%dma_wait3A_188 : memref<80x768xf32, #tpu.memory_space<hbm>>) dst(%dma_wait3A_186 : memref<80x768xf32, #tpu.memory_space<vmem_shared>>)
    %mul3A_189 = arith.constant 2 : i32
    %mul3A_190 = arith.muli %arg1, %mul3A_189 : i32
    %add3A_191 = arith.constant 1 : i32
    %add3A_192 = arith.addi %mul3A_190, %add3A_191 : i32
    %mul3A_193 = arith.constant 80 : i32
    %mul3A_194 = arith.muli %add3A_192, %mul3A_193 : i32
    %add3A_195 = arith.constant 400 : i32
    %add3A_196 = arith.addi %mul3A_2, %add3A_195 : i32
    %dma_start3A_197 = arith.constant 0 : i32
    %dma_start3A_198 = tpu.memref_slice %arg3[%add3A_196, %dma_start3A_197] : memref<32768x768xf32, #tpu.memory_space<hbm>> -> memref<80x768xf32, #tpu.memory_space<hbm>>
    %dma_start3A_199 = arith.constant 0 : i32
    %dma_start3A_200 = tpu.memref_slice %arg4[%mul3A_194, %dma_start3A_199] : memref<2560x768xf32, #tpu.memory_space<vmem_shared>> -> memref<80x768xf32, #tpu.memory_space<vmem_shared>>
    tpu.enqueue_dma source(%dma_start3A_200 : memref<80x768xf32, #tpu.memory_space<vmem_shared>>) target(%dma_start3A_198 : memref<80x768xf32, #tpu.memory_space<hbm>>) target_semaphore(%arg8 : memref<!tpu.dma_semaphore, #tpu.memory_space<semaphore_mem>>)
    %dma_wait3A_201 = arith.constant 0 : i32
    %dma_wait3A_202 = tpu.memref_slice %arg4[%mul3A_180, %dma_wait3A_201] : memref<2560x768xf32, #tpu.memory_space<vmem_shared>> -> memref<32x768xf32, #tpu.memory_space<vmem_shared>>
    %dma_wait3A_203 = arith.constant 0 : i32
    %dma_wait3A_204 = tpu.memref_slice %arg2[%add3A_174, %dma_wait3A_203] : memref<32768x768xf32, #tpu.memory_space<hbm>> -> memref<32x768xf32, #tpu.memory_space<hbm>>
    tpu.wait_dma2 semaphore(%arg5 : memref<!tpu.dma_semaphore, #tpu.memory_space<semaphore_mem>>) src(%dma_wait3A_204 : memref<32x768xf32, #tpu.memory_space<hbm>>) dst(%dma_wait3A_202 : memref<32x768xf32, #tpu.memory_space<vmem_shared>>)
    %mul3A_205 = arith.constant 2 : i32
    %mul3A_206 = arith.muli %arg1, %mul3A_205 : i32
    %add3A_207 = arith.constant 0 : i32
    %add3A_208 = arith.addi %mul3A_206, %add3A_207 : i32
    %mul3A_209 = arith.constant 80 : i32
    %mul3A_210 = arith.muli %add3A_208, %mul3A_209 : i32
    %add3A_211 = arith.constant 480 : i32
    %add3A_212 = arith.addi %mul3A_2, %add3A_211 : i32
    %dma_start3A_213 = arith.constant 0 : i32
    %dma_start3A_214 = tpu.memref_slice %arg3[%add3A_212, %dma_start3A_213] : memref<32768x768xf32, #tpu.memory_space<hbm>> -> memref<32x768xf32, #tpu.memory_space<hbm>>
    %dma_start3A_215 = arith.constant 0 : i32
    %dma_start3A_216 = tpu.memref_slice %arg4[%mul3A_210, %dma_start3A_215] : memref<2560x768xf32, #tpu.memory_space<vmem_shared>> -> memref<32x768xf32, #tpu.memory_space<vmem_shared>>
    tpu.enqueue_dma source(%dma_start3A_216 : memref<32x768xf32, #tpu.memory_space<vmem_shared>>) target(%dma_start3A_214 : memref<32x768xf32, #tpu.memory_space<hbm>>) target_semaphore(%arg7 : memref<!tpu.dma_semaphore, #tpu.memory_space<semaphore_mem>>)
    %dma_wait3A_217 = arith.constant 0 : i32
    %dma_wait3A_218 = tpu.memref_slice %arg3[%add3A_196, %dma_wait3A_217] : memref<32768x768xf32, #tpu.memory_space<hbm>> -> memref<80x768xf32, #tpu.memory_space<hbm>>
    %dma_wait3A_219 = arith.constant 0 : i32
    %dma_wait3A_220 = tpu.memref_slice %arg4[%mul3A_194, %dma_wait3A_219] : memref<2560x768xf32, #tpu.memory_space<vmem_shared>> -> memref<80x768xf32, #tpu.memory_space<vmem_shared>>
    tpu.wait_dma2 semaphore(%arg8 : memref<!tpu.dma_semaphore, #tpu.memory_space<semaphore_mem>>) src(%dma_wait3A_220 : memref<80x768xf32, #tpu.memory_space<vmem_shared>>) dst(%dma_wait3A_218 : memref<80x768xf32, #tpu.memory_space<hbm>>)
    %dma_wait3A_221 = arith.constant 0 : i32
    %dma_wait3A_222 = tpu.memref_slice %arg3[%add3A_212, %dma_wait3A_221] : memref<32768x768xf32, #tpu.memory_space<hbm>> -> memref<32x768xf32, #tpu.memory_space<hbm>>
    %dma_wait3A_223 = arith.constant 0 : i32
    %dma_wait3A_224 = tpu.memref_slice %arg4[%mul3A_210, %dma_wait3A_223] : memref<2560x768xf32, #tpu.memory_space<vmem_shared>> -> memref<32x768xf32, #tpu.memory_space<vmem_shared>>
    tpu.wait_dma2 semaphore(%arg7 : memref<!tpu.dma_semaphore, #tpu.memory_space<semaphore_mem>>) src(%dma_wait3A_224 : memref<32x768xf32, #tpu.memory_space<vmem_shared>>) dst(%dma_wait3A_222 : memref<32x768xf32, #tpu.memory_space<hbm>>)
    return
  }
}

</mosaic_0001>

<sc_bundles>
// kernel: kernel.3.cloned.1.call-start
scs
__scs_entry_jumppad:
0x0: {  	(pc) =	sbr.rel $0x88, $3  }
0x1: {  	(tag) =	ssettag $0x0;
	lr =	simm.s32 $0x1  }
0x2: {  	[smem:$0x3FA0] =	sst lr;
	_ =	strace $0xD0000000  }
0x3: {  	_ = 	snop  }
0x4: {  	_ = 	snop  }
0x5: {  	_ = 	snop  }
0x6: {  	_ = 	snop  }
0x7: {  	_ = 	snop  }
__scs_overlays_trampoline_lowered:
0x8: {  	[smem:$0x3FAF] =	sst s0  }
0x9: {  	[smem:$0x3FB0] =	sst s1  }
0xa: {  	[smem:$0x3FB1] =	sst s2  }
0xb: {  	[smem:$0x3FB2] =	sst s3  }
0xc: {  	[smem:$0x3FB3] =	sst s4  }
0xd: {  	[smem:$0x3FB4] =	sst s5  }
0xe: {  	[smem:$0x3FB5] =	sst s6  }
0xf: {  	[smem:$0x3FB6] =	sst s7  }
0x10: {  	[smem:$0x3FB7] =	sst s8  }
0x11: {  	[smem:$0x3FB8] =	sst s9;
	s0 =	simm.s32 @!p0 $0x0  }
0x12: {  	s1 =	sld [smem:$0x3F9E];
	s0 =	simm.s32 @p0 $0x1  }
0x13: {  	[smem:$0x3FB9] =	sst s0;
	s0 =	simm.s32 @!p1 $0x0  }
0x14: {  	s2 =	sld [smem:$0x3F9D];
	s0 =	simm.s32 @p1 $0x1  }
0x15: {  	[smem:$0x3FBA] =	sst s0;
	s0 =	simm.s32 @!p2 $0x0  }
0x16: {  	s3 =	sld [smem:$0x3FDB];
	s0 =	simm.s32 @p2 $0x1  }
0x17: {  	s4 =	simm.s32 $0x1BF5;
	[smem:$0x3FBC] =	sst s0  }
0x18: {  	s0 =	sld [smem:$0x3F9F];
	_ =	swait.ge [sflag:s4], $0x0  }
0x19: {  	s7 =	sld [smem:$0x3FA0]  }
0x1a: {  	s8 =	sadd.s32 $0xFFFFE003, lr  }
0x1b: {  	s9 =	sadd.s32 $0xFFFFFEF7, lr;
	s5 =	simm.s32 $0xFFFFFFFF;
	p2 =	slt.u32 s8, $0xFFFFF086  }
0x1c: {  	p1 =	slt.u32 s9, $0xF7A;
	s5 =	simm.s32 @!p2 $0x0  }
0x1d: {  	s5 =	simm.s32 @p1 $0x1;
	p0 =	seq.s32 s7, s2  }
0x1e: {  	s7 =	smul.u32 @!p0 $0xF7A, s2;
	p2 =	seq.s32 @!p0 s5, $0x0  }
0x1f: {  	s9 =	smul.u32 $0xF7A, s1;
	s8 =	simm.s32 @!p0 $0x1BF5;
	p2 =	por !p2, p0  }
0x20: {  	[sflag:s8] =	ssyncset.s32 @!p0 $0xFFFFF086;
	s6 =	sadd.s32 @!p0 s3, s7;
	s7 =	simm.s32 @!p0 $0x108  }
0x21: {  	s3 =	sadd.s32 s3, s9;
	s6 =	sadd.s32 @!p0 $0x88, s6;
	s7 =	simm.s32 @p2 $0x1082  }
0x22: {  	[simem:s7], [sflag:s8] =	dma.local @!p0 [hbm:s6], $0xF7A  }
0x23: {  	s9 =	sor.u32 $0xD0000000, s2;
	s6 =	simm.s32 $0x108;
	_ =	swait.ge @!p0 [sflag:s8], $0x0  }
0x24: {  	s3 =	sadd.s32 $0x88, s3;
	s6 =	simm.s32 @!p1 $0x1082;
	[sflag:s4] =	ssyncset.s32 $0xFFFFF086  }
0x25: {  	[simem:s6], [sflag:s4] =	dma.local [hbm:s3], $0xF7A  }
0x26: {  	[smem:$0x3FA0] =	sst s1;
	(tag) =	ssettag s2;
	_ =	strace s9  }
0x27: {  	s1 =	sld [smem:$0x3FB0]  }
0x28: {  	s2 =	sld [smem:$0x3FB1]  }
0x29: {  	s4 =	sld [smem:$0x3FB3]  }
0x2a: {  	p0 =	seq.s32 s5, $0x0;
	s5 =	sld [smem:$0x3FB4]  }
0x2b: {  	s6 =	sld [smem:$0x3FB5]  }
0x2c: {  	s7 =	sld [smem:$0x3FB6]  }
0x2d: {  	s3 =	simm.s32 $0x108;
	s8 =	sld [smem:$0x3FB7]  }
0x2e: {  	s3 =	simm.s32 @!p0 $0x1082;
	s9 =	sld [smem:$0x3FB8]  }
0x2f: {  	lr =	sadd.s32 s0, s3;
	s0 =	sld [smem:$0x3FAF]  }
0x30: {  	s3 =	sld [smem:$0x3FB2]  }
0x31: {  	[smem:$0x3FBB] =	sst s10  }
0x32: {  	s10 =	sld [smem:$0x3FB9];
	_ =	sdelay $0x3  }
0x33: {  	p0 =	seq.s32 s10, $0x1;
	s10 =	sld [smem:$0x3FBB];
	_ =	sdelay $0x3  }
0x34: {  	[smem:$0x3FBB] =	sst s10  }
0x35: {  	s10 =	sld [smem:$0x3FBA];
	_ =	sdelay $0x3  }
0x36: {  	p1 =	seq.s32 s10, $0x1;
	s10 =	sld [smem:$0x3FBB];
	_ =	sdelay $0x3  }
0x37: {  	[smem:$0x3FBB] =	sst s10  }
0x38: {  	s10 =	sld [smem:$0x3FBC]  }
0x39: {  	_ = 	snop;
	(pc) =	sbr.ind lr, $3  }
0x3a: {  	_ = 	snop  }
0x3b: {  	_ = 	snop  }
0x3c: {  	p2 =	seq.s32 s10, $0x1;
	s10 =	sld [smem:$0x3FBB]  }
0x3d: {  	_ =	shalt  }
0x3e: {  	_ =	shalt  }
0x3f: {  	_ =	shalt  }
0x40: {  	_ =	shalt  }
0x41: {  	_ =	shalt  }
0x42: {  	_ =	shalt  }
0x43: {  	_ =	shalt  }
0x44: {  	_ =	shalt  }
0x45: {  	_ =	shalt  }
0x46: {  	_ =	shalt  }
0x47: {  	_ =	shalt  }
0x48: {  	_ =	shalt  }
0x49: {  	_ =	shalt  }
0x4a: {  	_ =	shalt  }
0x4b: {  	_ =	shalt  }
0x4c: {  	_ =	shalt  }
0x4d: {  	_ =	shalt  }
0x4e: {  	_ =	shalt  }
0x4f: {  	_ =	shalt  }
0x50: {  	_ =	shalt  }
0x51: {  	_ =	shalt  }
0x52: {  	_ =	shalt  }
0x53: {  	_ =	shalt  }
0x54: {  	_ =	shalt  }
0x55: {  	_ =	shalt  }
0x56: {  	_ =	shalt  }
0x57: {  	_ =	shalt  }
0x58: {  	_ =	shalt  }
0x59: {  	_ =	shalt  }
0x5a: {  	_ =	shalt  }
0x5b: {  	_ =	shalt  }
0x5c: {  	_ =	shalt  }
0x5d: {  	_ =	shalt  }
0x5e: {  	_ =	shalt  }
0x5f: {  	_ =	shalt  }
0x60: {  	_ =	shalt  }
0x61: {  	_ =	shalt  }
0x62: {  	_ =	shalt  }
0x63: {  	_ =	shalt  }
0x64: {  	_ =	shalt  }
0x65: {  	_ =	shalt  }
0x66: {  	_ =	shalt  }
0x67: {  	_ =	shalt  }
0x68: {  	_ =	shalt  }
0x69: {  	_ =	shalt  }
0x6a: {  	_ =	shalt  }
0x6b: {  	_ =	shalt  }
0x6c: {  	_ =	shalt  }
0x6d: {  	_ =	shalt  }
0x6e: {  	_ =	shalt  }
0x6f: {  	_ =	shalt  }
0x70: {  	_ =	shalt  }
0x71: {  	_ =	shalt  }
0x72: {  	_ =	shalt  }
0x73: {  	_ =	shalt  }
0x74: {  	_ =	shalt  }
0x75: {  	_ =	shalt  }
0x76: {  	_ =	shalt  }
0x77: {  	_ =	shalt  }
0x78: {  	_ =	shalt  }
0x79: {  	_ =	shalt  }
0x7a: {  	_ =	shalt  }
0x7b: {  	_ =	shalt  }
0x7c: {  	_ =	shalt  }
0x7d: {  	_ =	shalt  }
0x7e: {  	_ =	shalt  }
0x7f: {  	_ =	shalt  }
0x80: {  	_ =	shalt  }
0x81: {  	_ =	shalt  }
0x82: {  	_ =	shalt  }
0x83: {  	_ =	shalt  }
0x84: {  	_ =	shalt  }
0x85: {  	_ =	shalt  }
0x86: {  	_ =	shalt  }
0x87: {  	_ =	shalt  }
.Lfunc_end0:
.L_simem_size_0:
called_computation_lowered:
.L_overlay_start_0:
0x88: {  	s2 =	sld [smem:$0x3FD9]  }
0x89: {  	s3 =	sld [smem:$0x3FFE];
	_ =	sdelay $0x1  }
0x8a: {  	s1 =	srdreg.scid  }
0x8b: {  	s0 =	sand.u32 $0x1, s1  }
0x8c: {  	s18 =	sshll.u32 s0, $0xA;
	s2 =	sadd.s32 s3, s2  }
0x8d: {  	s2 =	sadd.s32 s2, s18  }
0x8e: {  	[smem:$0x3FC7] =	sst s2  }
0x8f: {  	_ = 	snop  }
0x90: {  	s2 =	sld [smem:$0x3FC9]  }
0x91: {  	s19 =	sld [smem:$0x3FD0];
	(tm) =	ssettm $0x1  }
0x92: {  	s4 =	sld [smem:$0x3FFB];
	_ =	sdelay $0x3  }
0x93: {  	_ =	strace s4  }
0x94: {  	s4 =	sld [smem:$0x3FFC];
	_ =	sdelay $0x3  }
0x95: {  	_ =	strace s4  }
0x96: {  	s4 =	sld [smem:$0x3FFD];
	_ =	sdelay $0x3  }
0x97: {  	_ =	strace s4  }
0x98: {  	_ =	strace $0x8FFFFFFF  }
0x99: {  	s20 =	sld [smem:$0x3FDB];
	_ =	sdelay $0x1  }
0x9a: {  	s5 =	simm.s32 $_scs_section_size  }
0x9b: {  	s6 =	simm.s32 $_size__tile_overlayer_lowered;
	s7 =	simm.s32 $_tile_overlayer_lowered  }
0x9c: {  	s23 =	simm.s32 $0x1BFF;
	s22 =	sshll.u32 s7, $0x1;
	s4 =	sadd.s32 s5, s20  }
0x9d: {  	s8 =	simm.s32 $0x0;
	s21 =	sshll.u32 s6, $0x1;
	s6 =	sadd.s32 s22, s4  }
0x9e: {  	[timem:s8], [sflag:s23] =	dma.local [hbm:s6], s21  }
0x9f: {  	_ =	swait.ge [sflag:s23], s21  }
0xa0: {  	s5 =	ssub.s32 $0x0, s21;
	[sflag:s23] =	ssyncset.done $0x0  }
0xa1: {  	[sflag:s23] =	ssyncadd.s32 s5;
	_ =	sdelay $0x1  }
0xa2: {  	s24 =	simm.s32 $0x1B8B  }
0xa3: {  	_ =	swait.ge [sflag:s24], $0x1  }
0xa4: {  	[sflag:s24] =	ssyncset.done $0x0  }
0xa5: {  	s25 =	simm.s32 $0x1B8E;
	[sflag:s24] =	ssyncadd.s32 $0xFFFFFFFF  }
0xa6: {  	s26 =	simm.s32 $execute0_lowered;
	[smem:$0x3FD2] =	sst s25  }
0xa7: {  	s5 =	sshll.u32 s26, $0x1;
	_ =	strace $0x80000046;
	[dreg:$0x1] =	wrdreg $0xFFFFFFFF  }
0xa8: {  	s28 =	simm.s32 $_size_execute0_lowered;
	s4 =	sadd.s32 s4, s5;
	[dreg:$0x0] =	wrdreg $0x0  }
0xa9: {  	s5 =	sshll.u32 s28, $0x1;
	[dreg:$0x2] =	wrdreg s4  }
0xaa: {  	[dreg:$0x3] =	wrdreg s5  }
0xab: {  	[dreg:$0x4] =	wrdreg $0xC0  }
0xac: {  	_ =	task [dreg:s8], $0x5FFFF  }
0xad: {  	[dreg:$0x1] =	wrdreg $0xFFFFFFFF  }
0xae: {  	[dreg:$0x0] =	wrdreg $0x60  }
0xaf: {  	[dreg:$0x2] =	wrdreg s2  }
0xb0: {  	[dreg:$0x3] =	wrdreg s19  }
0xb1: {  	[dreg:$0x4] =	wrdreg $0x0  }
0xb2: {  	[dreg:$0x5] =	wrdreg $0x9  }
0xb3: {  	_ =	task.clear_ibuf [dreg:s8], $0x6FFFF;
	_ =	strace $0x90000046  }
0xb4: {  	s29 =	simm.s32 $0x9;
	_ =	strace $0x80000048  }
0xb5: {  	_ =	swait.ge [sflag:s29], $0x1  }
0xb6: {  	[sflag:s29] =	ssyncadd.s32 $0xFFFFFFFF  }
0xb7: {  	_ =	strace $0x90000048  }
0xb8: {  	_ =	sfence  }
0xb9: {  	s30 =	sld [smem:$0x0];
	_ =	sdelay $0x2  }
0xba: {  	s31 =	sshll.u32 s1, $0xD;
	s1 =	sshrl.u32 s1, $0x2  }
0xbb: {  	s3 =	sand.u32 $0x4000, s31;
	s1 =	sadd.s32 s1, s30  }
0xbc: {  	s0 =	sor.u32 s3, s0;
	s1 =	sshll.u32 s1, $0x11  }
0xbd: {  	s0 =	sor.u32 s1, s0  }
0xbe: {  	s0 =	sadd.s32 $0x8F2B, s0  }
0xbf: {  	[sflag:s0] =	ssyncadd.remote.s32 $0x1  }
0xc0: {  	_ =	sfence.sel $0xFFFF  }
0xc1: {  	[dreg:$0x0] =	wrdreg $0xFFFFFFFF;
	(pc) =	sbr.abs _section_cstart, $3  }
0xc2: {  	[dreg:$0x1] =	wrdreg $0xFFFFFFFF  }
0xc3: {  	_ =	task.clear_ibuf [dreg:s8], $0x2FFFF;
	_ =	strace $0x9FFFFFFF  }
0xc4: {  	(tm) =	ssettm $0x7FFFFFFF  }
0xc5: {  	_ =	shalt  }
tec
execute0_lowered:
.L_overlay_start_1:
0x0: {  	(tag) =	ssettag $0x1  }
0x1: {  	s23 =	rddreg [dreg:$0x0]  }
0x2: {  	s1 =	srdreg.scid;
	s25 =	rddreg [dreg:$0x1]  }
0x3: {  	s0 =	stileid.u32;
	s5 =	rddreg [dreg:$0x2]  }
0x4: {  	s3 =	simm.s32 $0x0;
	s26 =	sand.u32 $0x1, s1;
	s28 =	smul.u32 $0xA0, s0  }
0x5: {  	s24 =	sshll.u32 s0, $0x8;
	s1 =	rddreg [dreg:$0x3];
	s2 =	sshll.u32 s26, $0x7  }
0x6: {  	s4 =	smul.u32 $0x78000, s0;
	s21 =	sor.u32 s2, s24;
	s2 =	sshrl.u32 s28, $0x3  }
0x7: {  	[smem:$0x7FF] =	sst s3;
	s16 =	sshll.u32 s0, $0x6;
	s29 =	smul.u32 $0x6000, s2  }
0x8: {  	_ =	strace $0x80000047;
	s3 =	sor.u32 $0x1C01, s16;
	s19 =	smul.u32 $0x300, s21  }
0x9: {  	s8 =	sor.u32 $0x1C02, s16;
	s4 =	sshrl.u32 s4, $0x2;
	s30 =	sadd.s32 $0x3C000, s29  }
0xa: {  	s6 =	sadd.s32 s4, s5;
	s14 =	sor.u32 $0x1E00, s19;
	s7 =	sshrl.u32 s30, $0x2  }
0xb: {  	s2 =	sadd.s32 s23, s19;
	s4 =	sadd.s32 s23, s14;
	s7 =	sadd.s32 s7, s5  }
0xc: {  	s5 =	sshrl.u32 s6, $0x3;
	s6 =	sshrl.u32 s7, $0x3;
	s7 =	simm.s32 $0x1  }
0xd: {  	[spmem:s5], [sflag:s3] =	dma.local [hbm:s2], $0x1E00  }
0xe: {  	[spmem:s6], [sflag:s8] =	dma.local [hbm:s4], $0x1E00  }
0xf: {  	_ =	swait.ge [sflag:s7], $0x1E00  }
0x10: {  	s10 =	simm.s32 $0x3;
	[sflag:s7] =	ssyncset.done $0x0  }
0x11: {  	s11 =	sor.u32 $0x1C03, s16;
	s9 =	sadd.s32 s25, s19;
	[sflag:s7] =	ssyncadd.s32 $0xFFFFE200  }
0x12: {  	[hbm:s9], [sflag:s11] =	dma.local [spmem:s5], $0x1E00  }
0x13: {  	_ =	swait.ge [sflag:s10], $0x1E00  }
0x14: {  	s18 =	sor.u32 $0x3C00, s19;
	[sflag:s10] =	ssyncset.done $0x0  }
0x15: {  	s13 =	simm.s32 $0x2;
	s12 =	sadd.s32 s23, s18;
	[sflag:s10] =	ssyncadd.s32 $0xFFFFE200  }
0x16: {  	[spmem:s5], [sflag:s3] =	dma.local [hbm:s12], $0x1E00  }
0x17: {  	_ =	swait.ge [sflag:s13], $0x1E00  }
0x18: {  	s15 =	simm.s32 $0x4;
	[sflag:s13] =	ssyncset.done $0x0  }
0x19: {  	s16 =	sor.u32 $0x1C04, s16;
	s14 =	sadd.s32 s25, s14;
	[sflag:s13] =	ssyncadd.s32 $0xFFFFE200  }
0x1a: {  	[hbm:s14], [sflag:s16] =	dma.local [spmem:s6], $0x1E00  }
0x1b: {  	_ =	swait.ge [sflag:s15], $0x1E00  }
0x1c: {  	s20 =	sor.u32 $0x5A00, s19;
	[sflag:s15] =	ssyncset.done $0x0  }
0x1d: {  	s17 =	sadd.s32 s23, s20;
	[sflag:s15] =	ssyncadd.s32 $0xFFFFE200  }
0x1e: {  	[spmem:s6], [sflag:s8] =	dma.local [hbm:s17], $0x1E00  }
0x1f: {  	_ =	swait.ge [sflag:s7], $0x1E00  }
0x20: {  	[sflag:s7] =	ssyncset.done $0x0  }
0x21: {  	s18 =	sadd.s32 s25, s18;
	[sflag:s7] =	ssyncadd.s32 $0xFFFFE200  }
0x22: {  	[hbm:s18], [sflag:s11] =	dma.local [spmem:s5], $0x1E00  }
0x23: {  	_ =	swait.ge [sflag:s10], $0x1E00  }
0x24: {  	s22 =	sor.u32 $0x7800, s19;
	[sflag:s10] =	ssyncset.done $0x0  }
0x25: {  	s19 =	sadd.s32 s23, s22;
	[sflag:s10] =	ssyncadd.s32 $0xFFFFE200  }
0x26: {  	[spmem:s5], [sflag:s3] =	dma.local [hbm:s19], $0x1E00  }
0x27: {  	_ =	swait.ge [sflag:s13], $0x1E00  }
0x28: {  	[sflag:s13] =	ssyncset.done $0x0  }
0x29: {  	s21 =	smul.u32 $0x1800, s21;
	s20 =	sadd.s32 s25, s20;
	[sflag:s13] =	ssyncadd.s32 $0xFFFFE200  }
0x2a: {  	[hbm:s20], [sflag:s16] =	dma.local [spmem:s6], $0x1E00  }
0x2b: {  	s24 =	sshrl.u32 s21, $0x3;
	_ =	swait.ge [sflag:s15], $0x1E00  }
0x2c: {  	s28 =	sadd.s32 $0x9600, s24;
	[sflag:s15] =	ssyncset.done $0x0  }
0x2d: {  	s21 =	sadd.s32 s23, s28;
	[sflag:s15] =	ssyncadd.s32 $0xFFFFE200  }
0x2e: {  	[spmem:s6], [sflag:s8] =	dma.local [hbm:s21], $0x1E00  }
0x2f: {  	_ =	swait.ge [sflag:s7], $0x1E00  }
0x30: {  	[sflag:s7] =	ssyncset.done $0x0  }
0x31: {  	s22 =	sadd.s32 s25, s22;
	[sflag:s7] =	ssyncadd.s32 $0xFFFFE200  }
0x32: {  	[hbm:s22], [sflag:s11] =	dma.local [spmem:s5], $0x1E00  }
0x33: {  	_ =	swait.ge [sflag:s10], $0x1E00  }
0x34: {  	s29 =	sadd.s32 $0xB400, s24;
	[sflag:s10] =	ssyncset.done $0x0  }
0x35: {  	s23 =	sadd.s32 s23, s29;
	[sflag:s10] =	ssyncadd.s32 $0xFFFFE200  }
0x36: {  	[spmem:s5], [sflag:s3] =	dma.local [hbm:s23], $0xC00  }
0x37: {  	_ =	swait.ge [sflag:s13], $0x1E00  }
0x38: {  	s26 =	ssub.s32 $0x2, s26;
	[sflag:s13] =	ssyncset.done $0x0  }
0x39: {  	s31 =	sshrl.u32 s26, $0x1;
	s24 =	sadd.s32 s25, s28;
	[sflag:s13] =	ssyncadd.s32 $0xFFFFE200  }
0x3a: {  	[hbm:s24], [sflag:s16] =	dma.local [spmem:s6], $0x1E00  }
0x3b: {  	s26 =	ssub.s32 s26, s31;
	_ =	swait.ge [sflag:s7], $0xC00  }
0x3c: {  	s26 =	smax.u32 s26, $0x1;
	[sflag:s7] =	ssyncset.done $0x0  }
0x3d: {  	p0 =	sne.s32 s26, $0x1;
	s25 =	sadd.s32 s25, s29;
	[sflag:s7] =	ssyncadd.s32 $0xFFFFF400  }
0x3e: {  	[hbm:s25], [sflag:s11] =	dma.local [spmem:s5], $0xC00  }
.Ltmp0:
0x3f: {  	_ =	swait.ge [sflag:s15], $0x1E00;
	(pc) =	sbr.rel @!p0 .LBB2_2-.Ltmp0, $4  }
0x40: {  	[sflag:s15] =	ssyncset.done $0x0  }
0x41: {  	[sflag:s15] =	ssyncadd.s32 $0xFFFFE200  }
0x42: {  	_ =	swait.ge [sflag:s10], $0xC00  }
0x43: {  	s26 =	sadd.s32 $0xFFFFFFFF, s26;
	[sflag:s10] =	ssyncset.done $0x0  }
.LBB2_1:
0x44: {  	p0 =	sne.s32 s26, $0x1;
	[sflag:s10] =	ssyncadd.s32 $0xFFFFF400  }
0x45: {  	[spmem:s5], [sflag:s3] =	dma.local [hbm:s2], $0x1E00  }
0x46: {  	[spmem:s6], [sflag:s8] =	dma.local [hbm:s4], $0x1E00  }
0x47: {  	s26 =	sadd.s32 $0xFFFFFFFF, s26;
	_ =	swait.ge [sflag:s7], $0x1E00  }
0x48: {  	[sflag:s7] =	ssyncset.done $0x0  }
0x49: {  	[sflag:s7] =	ssyncadd.s32 $0xFFFFE200  }
0x4a: {  	[hbm:s9], [sflag:s11] =	dma.local [spmem:s5], $0x1E00  }
0x4b: {  	_ =	swait.ge [sflag:s10], $0x1E00  }
0x4c: {  	[sflag:s10] =	ssyncset.done $0x0  }
0x4d: {  	[sflag:s10] =	ssyncadd.s32 $0xFFFFE200  }
0x4e: {  	[spmem:s5], [sflag:s3] =	dma.local [hbm:s12], $0x1E00  }
0x4f: {  	_ =	swait.ge [sflag:s13], $0x1E00  }
0x50: {  	[sflag:s13] =	ssyncset.done $0x0  }
0x51: {  	[sflag:s13] =	ssyncadd.s32 $0xFFFFE200  }
0x52: {  	[hbm:s14], [sflag:s16] =	dma.local [spmem:s6], $0x1E00  }
0x53: {  	_ =	swait.ge [sflag:s15], $0x1E00  }
0x54: {  	[sflag:s15] =	ssyncset.done $0x0  }
0x55: {  	[sflag:s15] =	ssyncadd.s32 $0xFFFFE200  }
0x56: {  	[spmem:s6], [sflag:s8] =	dma.local [hbm:s17], $0x1E00  }
0x57: {  	_ =	swait.ge [sflag:s7], $0x1E00  }
0x58: {  	[sflag:s7] =	ssyncset.done $0x0  }
0x59: {  	[sflag:s7] =	ssyncadd.s32 $0xFFFFE200  }
0x5a: {  	[hbm:s18], [sflag:s11] =	dma.local [spmem:s5], $0x1E00  }
0x5b: {  	_ =	swait.ge [sflag:s10], $0x1E00  }
0x5c: {  	[sflag:s10] =	ssyncset.done $0x0  }
0x5d: {  	[sflag:s10] =	ssyncadd.s32 $0xFFFFE200  }
0x5e: {  	[spmem:s5], [sflag:s3] =	dma.local [hbm:s19], $0x1E00  }
0x5f: {  	_ =	swait.ge [sflag:s13], $0x1E00  }
0x60: {  	[sflag:s13] =	ssyncset.done $0x0  }
0x61: {  	[sflag:s13] =	ssyncadd.s32 $0xFFFFE200  }
0x62: {  	[hbm:s20], [sflag:s16] =	dma.local [spmem:s6], $0x1E00  }
0x63: {  	_ =	swait.ge [sflag:s15], $0x1E00  }
0x64: {  	[sflag:s15] =	ssyncset.done $0x0  }
0x65: {  	[sflag:s15] =	ssyncadd.s32 $0xFFFFE200  }
0x66: {  	[spmem:s6], [sflag:s8] =	dma.local [hbm:s21], $0x1E00  }
0x67: {  	_ =	swait.ge [sflag:s7], $0x1E00  }
0x68: {  	[sflag:s7] =	ssyncset.done $0x0  }
0x69: {  	[sflag:s7] =	ssyncadd.s32 $0xFFFFE200  }
0x6a: {  	[hbm:s22], [sflag:s11] =	dma.local [spmem:s5], $0x1E00  }
0x6b: {  	_ =	swait.ge [sflag:s10], $0x1E00  }
0x6c: {  	[sflag:s10] =	ssyncset.done $0x0  }
0x6d: {  	[sflag:s10] =	ssyncadd.s32 $0xFFFFE200  }
0x6e: {  	[spmem:s5], [sflag:s3] =	dma.local [hbm:s23], $0xC00  }
0x6f: {  	_ =	swait.ge [sflag:s13], $0x1E00  }
0x70: {  	[sflag:s13] =	ssyncset.done $0x0  }
0x71: {  	[sflag:s13] =	ssyncadd.s32 $0xFFFFE200  }
0x72: {  	[hbm:s24], [sflag:s16] =	dma.local [spmem:s6], $0x1E00  }
0x73: {  	_ =	swait.ge [sflag:s7], $0xC00  }
0x74: {  	[sflag:s7] =	ssyncset.done $0x0  }
0x75: {  	[sflag:s7] =	ssyncadd.s32 $0xFFFFF400  }
0x76: {  	[hbm:s25], [sflag:s11] =	dma.local [spmem:s5], $0xC00  }
.Ltmp1:
0x77: {  	_ =	swait.ge [sflag:s15], $0x1E00;
	(pc) =	sbr.rel @p0 .LBB2_1-.Ltmp1, $4  }
0x78: {  	[sflag:s15] =	ssyncset.done $0x0  }
0x79: {  	[sflag:s15] =	ssyncadd.s32 $0xFFFFE200  }
0x7a: {  	_ =	swait.ge [sflag:s10], $0xC00  }
0x7b: {  	[sflag:s10] =	ssyncset.done $0x0  }
.LBB2_2:
0x7c: {  	[sflag:s10] =	ssyncadd.s32 $0xFFFFF400  }
0x7d: {  	_ =	sfence.sel $0x180000  }
0x7e: {  	[bflag:$0x0] =	sbarrier.arrive $0xFFFF  }
0x7f: {  	p0 =	sne.s32 s0, $0x0;
	_ =	strace $0x90000047  }
0x80: {  	s0 =	sadd.s32 @!p0 $0x100000, s1;
	[bflag:$0x2] =	sbarrier.arrive $0xFFFF  }
0x81: {  	[sflag:s0] =	ssyncadd.tile.s32 @!p0 $0x1;
	_ =	shalt  }
.Lfunc_end2:
_tile_overlayer_lowered:
.L_overlay_start_2:
0x82: {  	(tag) =	ssettag $0x2  }
0x83: {  	s0 =	rddreg [dreg:$0x0];
	s2 =	stileid.u32  }
0x84: {  	s1 =	rddreg [dreg:$0x1];
	p0 =	sne.s32 s2, $0x0  }
0x85: {  	s3 =	rddreg [dreg:$0x2];
	[bflag:$0x3] =	sbarrier.arrive $0xFFFF;
	s2 =	simm.s32 @!p0 $0x1C05  }
0x86: {  	[timem:s3], [sflag:s2] =	dma.local @!p0 [hbm:s0], s1  }
0x87: {  	s0 =	simm.s32 @!p0 $0x5  }
0x88: {  	_ =	swait.ge @!p0 [sflag:s0], s1  }
0x89: {  	s1 =	ssub.s32 @!p0 $0x0, s1;
	[sflag:s0] =	ssyncset.done @!p0 $0x0  }
0x8a: {  	[sflag:s0] =	ssyncadd.s32 @!p0 s1  }
0x8b: {  	[bflag:$0x3] =	sbarrier.arrive $0xFFFF  }
0x8c: {  	_ =	shalt  }

</sc_bundles>
